<compile_context>
chip_gen: v7x
topology: tpu7x:2x2x1
jax: 0.10.2.dev20260603
libtpu: 0.0.44.dev20260713+nightly
codegen_flags: <defaults>
</compile_context>

<pallas_src>
import jax
import jax.numpy as jnp
from jax.experimental import pallas as pl
from jax.experimental.pallas import tpu as pltpu


def _cumprod_block(x_ref, o_ref):
    x = x_ref[...]
    lane = jax.lax.broadcasted_iota(jnp.int32, x.shape, 2)
    for s in (1, 2, 4, 8, 16, 32, 64):
        rolled = pltpu.roll(x, s, axis=2)
        x = x * jnp.where(lane >= s, rolled, 1.0)
    tot = jax.lax.broadcast_in_dim(x[:, :, 127], x.shape, (0, 1))
    sub = jax.lax.broadcasted_iota(jnp.int32, x.shape, 1)
    carry = jnp.where(sub >= 1, pltpu.roll(tot, 1, axis=1), 1.0)
    for s in (1, 2, 4):
        rolled = pltpu.roll(carry, s, axis=1)
        carry = carry * jnp.where(sub >= s, rolled, 1.0)
    o_ref[...] = x * carry


def kernel(x):
    m, n = x.shape
    block_rows = 256
    x3 = x.reshape(m, 8, n // 8)
    out = pl.pallas_call(
        _cumprod_block,
        out_shape=jax.ShapeDtypeStruct((m, 8, n // 8), x.dtype),
        grid=(m // block_rows,),
        in_specs=[pl.BlockSpec((block_rows, 8, n // 8), lambda i: (i, 0, 0))],
        out_specs=pl.BlockSpec((block_rows, 8, n // 8), lambda i: (i, 0, 0)),
    )(x3)
    return out.reshape(m, n)

# --- scband reference (transcript-rebuilt; emitter-appended) ---
"""Pipeline reference for scband-model-new-4810363371680 (READ-ONLY COPY).

The authoritative reference and input builder live on the scoring server;
editing this copy changes nothing except your own understanding.
"""

import jax, jax.numpy as jnp
import numpy as np


def setup_inputs(seed: int = 0) -> dict:
    key = jax.random.key(seed)
    x = jax.random.normal(key, (16384, 1024), dtype=jnp.float32)
    return {"x": x}


def reference(x):
    # Faithful translation of the module: cumulative product along dim=1
    return jnp.cumprod(x, axis=1)

if __name__ == "__main__":
    import jax
    _d = setup_inputs()
    print(jax.jit(kernel)(*tuple(_d.values())))

</pallas_src>

<mosaic_0001>
module attributes {stable_mosaic.version = 14 : i64} {
  func.func @_cumprod_block(%arg0: i32, %arg1: memref<256x8x128xf32, #tpu.memory_space<vmem>>, %arg2: memref<256x8x128xf32, #tpu.memory_space<vmem>>) attributes {dimension_semantics = [#tpu.dimension_semantics<arbitrary>], iteration_bounds = array<i64: 64>, scalar_prefetch = 0 : i64, scratch_operands = 0 : i64, tpu.core_type = #tpu.core_type<tc>, window_params = [{transform_indices = @transform_0, window_bounds = array<i64: 256, 8, 128>}, {transform_indices = @transform_1, window_bounds = array<i64: 256, 8, 128>}]} {
    %get3A = arith.constant 0 : index
    %get3A_0 = arith.constant 0 : index
    %get3A_1 = arith.constant 0 : index
    %get3A_2 = vector.load %arg1[%get3A, %get3A_0, %get3A_1] : memref<256x8x128xf32, #tpu.memory_space<vmem>>, vector<256x8x128xf32>
    %iota3A = tpu.iota {dimensions = array<i32: 2>} : vector<256x8x128xi32>
    %roll3A = arith.constant 1 : i32
    %roll3A_3 = tpu.dynamic_rotate %get3A_2 by %roll3A dim 2 : vector<256x8x128xf32>, i32 -> vector<256x8x128xf32>
    %ge3A = arith.constant 1 : i32
    %ge3A_4 = vector.broadcast %ge3A : i32 to vector<256x8x128xi32>
    %ge3A_5 = arith.cmpi sge, %iota3A, %ge3A_4 : vector<256x8x128xi32>
    %jit3A = arith.constant 1.000000e+00 : f32
    %broadcast_in_dim3A = vector.broadcast %jit3A : f32 to vector<256x8x128xf32>
    %select_n3A = arith.select %ge3A_5, %roll3A_3, %broadcast_in_dim3A : vector<256x8x128xi1>, vector<256x8x128xf32>
    %mul3A = arith.mulf %get3A_2, %select_n3A : vector<256x8x128xf32>
    %roll3A_6 = arith.constant 2 : i32
    %roll3A_7 = tpu.dynamic_rotate %mul3A by %roll3A_6 dim 2 : vector<256x8x128xf32>, i32 -> vector<256x8x128xf32>
    %ge3A_8 = arith.constant 2 : i32
    %ge3A_9 = vector.broadcast %ge3A_8 : i32 to vector<256x8x128xi32>
    %ge3A_10 = arith.cmpi sge, %iota3A, %ge3A_9 : vector<256x8x128xi32>
    %jit3A_11 = arith.constant 1.000000e+00 : f32
    %broadcast_in_dim3A_12 = vector.broadcast %jit3A_11 : f32 to vector<256x8x128xf32>
    %select_n3A_13 = arith.select %ge3A_10, %roll3A_7, %broadcast_in_dim3A_12 : vector<256x8x128xi1>, vector<256x8x128xf32>
    %mul3A_14 = arith.mulf %mul3A, %select_n3A_13 : vector<256x8x128xf32>
    %roll3A_15 = arith.constant 4 : i32
    %roll3A_16 = tpu.dynamic_rotate %mul3A_14 by %roll3A_15 dim 2 : vector<256x8x128xf32>, i32 -> vector<256x8x128xf32>
    %ge3A_17 = arith.constant 4 : i32
    %ge3A_18 = vector.broadcast %ge3A_17 : i32 to vector<256x8x128xi32>
    %ge3A_19 = arith.cmpi sge, %iota3A, %ge3A_18 : vector<256x8x128xi32>
    %jit3A_20 = arith.constant 1.000000e+00 : f32
    %broadcast_in_dim3A_21 = vector.broadcast %jit3A_20 : f32 to vector<256x8x128xf32>
    %select_n3A_22 = arith.select %ge3A_19, %roll3A_16, %broadcast_in_dim3A_21 : vector<256x8x128xi1>, vector<256x8x128xf32>
    %mul3A_23 = arith.mulf %mul3A_14, %select_n3A_22 : vector<256x8x128xf32>
    %roll3A_24 = arith.constant 8 : i32
    %roll3A_25 = tpu.dynamic_rotate %mul3A_23 by %roll3A_24 dim 2 : vector<256x8x128xf32>, i32 -> vector<256x8x128xf32>
    %ge3A_26 = arith.constant 8 : i32
    %ge3A_27 = vector.broadcast %ge3A_26 : i32 to vector<256x8x128xi32>
    %ge3A_28 = arith.cmpi sge, %iota3A, %ge3A_27 : vector<256x8x128xi32>
    %jit3A_29 = arith.constant 1.000000e+00 : f32
    %broadcast_in_dim3A_30 = vector.broadcast %jit3A_29 : f32 to vector<256x8x128xf32>
    %select_n3A_31 = arith.select %ge3A_28, %roll3A_25, %broadcast_in_dim3A_30 : vector<256x8x128xi1>, vector<256x8x128xf32>
    %mul3A_32 = arith.mulf %mul3A_23, %select_n3A_31 : vector<256x8x128xf32>
    %roll3A_33 = arith.constant 16 : i32
    %roll3A_34 = tpu.dynamic_rotate %mul3A_32 by %roll3A_33 dim 2 : vector<256x8x128xf32>, i32 -> vector<256x8x128xf32>
    %ge3A_35 = arith.constant 16 : i32
    %ge3A_36 = vector.broadcast %ge3A_35 : i32 to vector<256x8x128xi32>
    %ge3A_37 = arith.cmpi sge, %iota3A, %ge3A_36 : vector<256x8x128xi32>
    %jit3A_38 = arith.constant 1.000000e+00 : f32
    %broadcast_in_dim3A_39 = vector.broadcast %jit3A_38 : f32 to vector<256x8x128xf32>
    %select_n3A_40 = arith.select %ge3A_37, %roll3A_34, %broadcast_in_dim3A_39 : vector<256x8x128xi1>, vector<256x8x128xf32>
    %mul3A_41 = arith.mulf %mul3A_32, %select_n3A_40 : vector<256x8x128xf32>
    %roll3A_42 = arith.constant 32 : i32
    %roll3A_43 = tpu.dynamic_rotate %mul3A_41 by %roll3A_42 dim 2 : vector<256x8x128xf32>, i32 -> vector<256x8x128xf32>
    %ge3A_44 = arith.constant 32 : i32
    %ge3A_45 = vector.broadcast %ge3A_44 : i32 to vector<256x8x128xi32>
    %ge3A_46 = arith.cmpi sge, %iota3A, %ge3A_45 : vector<256x8x128xi32>
    %jit3A_47 = arith.constant 1.000000e+00 : f32
    %broadcast_in_dim3A_48 = vector.broadcast %jit3A_47 : f32 to vector<256x8x128xf32>
    %select_n3A_49 = arith.select %ge3A_46, %roll3A_43, %broadcast_in_dim3A_48 : vector<256x8x128xi1>, vector<256x8x128xf32>
    %mul3A_50 = arith.mulf %mul3A_41, %select_n3A_49 : vector<256x8x128xf32>
    %roll3A_51 = arith.constant 64 : i32
    %roll3A_52 = tpu.dynamic_rotate %mul3A_50 by %roll3A_51 dim 2 : vector<256x8x128xf32>, i32 -> vector<256x8x128xf32>
    %ge3A_53 = arith.constant 64 : i32
    %ge3A_54 = vector.broadcast %ge3A_53 : i32 to vector<256x8x128xi32>
    %ge3A_55 = arith.cmpi sge, %iota3A, %ge3A_54 : vector<256x8x128xi32>
    %jit3A_56 = arith.constant 1.000000e+00 : f32
    %broadcast_in_dim3A_57 = vector.broadcast %jit3A_56 : f32 to vector<256x8x128xf32>
    %select_n3A_58 = arith.select %ge3A_55, %roll3A_52, %broadcast_in_dim3A_57 : vector<256x8x128xi1>, vector<256x8x128xf32>
    %mul3A_59 = arith.mulf %mul3A_50, %select_n3A_58 : vector<256x8x128xf32>
    %slice3A = vector.extract_strided_slice %mul3A_59 {offsets = [0, 0, 127], sizes = [256, 8, 1], strides = [1, 1, 1]} : vector<256x8x128xf32> to vector<256x8x1xf32>
    %squeeze3A = vector.shape_cast %slice3A : vector<256x8x1xf32> to vector<256x8xf32>
    %broadcast_in_dim3A_60 = vector.shape_cast %squeeze3A : vector<256x8xf32> to vector<256x8x1xf32>
    %broadcast_in_dim3A_61 = vector.broadcast %broadcast_in_dim3A_60 : vector<256x8x1xf32> to vector<256x8x128xf32>
    %iota3A_62 = tpu.iota {dimensions = array<i32: 1>} : vector<256x8x128xi32>
    %ge3A_63 = arith.constant 1 : i32
    %ge3A_64 = vector.broadcast %ge3A_63 : i32 to vector<256x8x128xi32>
    %ge3A_65 = arith.cmpi sge, %iota3A_62, %ge3A_64 : vector<256x8x128xi32>
    %roll3A_66 = arith.constant 1 : i32
    %roll3A_67 = tpu.dynamic_rotate %broadcast_in_dim3A_61 by %roll3A_66 dim 1 : vector<256x8x128xf32>, i32 -> vector<256x8x128xf32>
    %jit3A_68 = arith.constant 1.000000e+00 : f32
    %broadcast_in_dim3A_69 = vector.broadcast %jit3A_68 : f32 to vector<256x8x128xf32>
    %select_n3A_70 = arith.select %ge3A_65, %roll3A_67, %broadcast_in_dim3A_69 : vector<256x8x128xi1>, vector<256x8x128xf32>
    %roll3A_71 = arith.constant 1 : i32
    %roll3A_72 = tpu.dynamic_rotate %select_n3A_70 by %roll3A_71 dim 1 : vector<256x8x128xf32>, i32 -> vector<256x8x128xf32>
    %ge3A_73 = arith.constant 1 : i32
    %ge3A_74 = vector.broadcast %ge3A_73 : i32 to vector<256x8x128xi32>
    %ge3A_75 = arith.cmpi sge, %iota3A_62, %ge3A_74 : vector<256x8x128xi32>
    %jit3A_76 = arith.constant 1.000000e+00 : f32
    %broadcast_in_dim3A_77 = vector.broadcast %jit3A_76 : f32 to vector<256x8x128xf32>
    %select_n3A_78 = arith.select %ge3A_75, %roll3A_72, %broadcast_in_dim3A_77 : vector<256x8x128xi1>, vector<256x8x128xf32>
    %mul3A_79 = arith.mulf %select_n3A_70, %select_n3A_78 : vector<256x8x128xf32>
    %roll3A_80 = arith.constant 2 : i32
    %roll3A_81 = tpu.dynamic_rotate %mul3A_79 by %roll3A_80 dim 1 : vector<256x8x128xf32>, i32 -> vector<256x8x128xf32>
    %ge3A_82 = arith.constant 2 : i32
    %ge3A_83 = vector.broadcast %ge3A_82 : i32 to vector<256x8x128xi32>
    %ge3A_84 = arith.cmpi sge, %iota3A_62, %ge3A_83 : vector<256x8x128xi32>
    %jit3A_85 = arith.constant 1.000000e+00 : f32
    %broadcast_in_dim3A_86 = vector.broadcast %jit3A_85 : f32 to vector<256x8x128xf32>
    %select_n3A_87 = arith.select %ge3A_84, %roll3A_81, %broadcast_in_dim3A_86 : vector<256x8x128xi1>, vector<256x8x128xf32>
    %mul3A_88 = arith.mulf %mul3A_79, %select_n3A_87 : vector<256x8x128xf32>
    %roll3A_89 = arith.constant 4 : i32
    %roll3A_90 = tpu.dynamic_rotate %mul3A_88 by %roll3A_89 dim 1 : vector<256x8x128xf32>, i32 -> vector<256x8x128xf32>
    %ge3A_91 = arith.constant 4 : i32
    %ge3A_92 = vector.broadcast %ge3A_91 : i32 to vector<256x8x128xi32>
    %ge3A_93 = arith.cmpi sge, %iota3A_62, %ge3A_92 : vector<256x8x128xi32>
    %jit3A_94 = arith.constant 1.000000e+00 : f32
    %broadcast_in_dim3A_95 = vector.broadcast %jit3A_94 : f32 to vector<256x8x128xf32>
    %select_n3A_96 = arith.select %ge3A_93, %roll3A_90, %broadcast_in_dim3A_95 : vector<256x8x128xi1>, vector<256x8x128xf32>
    %mul3A_97 = arith.mulf %mul3A_88, %select_n3A_96 : vector<256x8x128xf32>
    %mul3A_98 = arith.mulf %mul3A_59, %mul3A_97 : vector<256x8x128xf32>
    %swap3A = arith.constant 0 : index
    %swap3A_99 = arith.constant 0 : index
    %swap3A_100 = arith.constant 0 : index
    %swap3A_101 = vector.load %arg2[%swap3A, %swap3A_99, %swap3A_100] : memref<256x8x128xf32, #tpu.memory_space<vmem>>, vector<256x8x128xf32>
    tpu.vector_store %arg2[%swap3A, %swap3A_99, %swap3A_100], %mul3A_98 {strides = array<i32>} : memref<256x8x128xf32, #tpu.memory_space<vmem>>, vector<256x8x128xf32>,
    return
  }
  func.func @transform_0(%arg0: i32) -> (i32, i32, i32) {
    %c0_i32 = arith.constant 0 : i32
    %c0_i32_0 = arith.constant 0 : i32
    %c0_i32_1 = arith.constant 0 : i32
    return %arg0, %c0_i32, %c0_i32_0 : i32, i32, i32
  }
  func.func @transform_1(%arg0: i32) -> (i32, i32, i32) {
    %c0_i32 = arith.constant 0 : i32
    %c0_i32_0 = arith.constant 0 : i32
    %c0_i32_1 = arith.constant 0 : i32
    return %arg0, %c0_i32, %c0_i32_0 : i32, i32, i32
  }
}

</mosaic_0001>

<sc_bundles>
// kernel: sparse-core-data-format-call.1.cloned.1.call-start
scs
called_computation.1_lowered:
.L_overlay_start_0:
0x0: {  	s2 =	sld [smem:$0x3FD9]  }
0x1: {  	s3 =	sld [smem:$0x3FFE];
	_ =	sdelay $0x1  }
0x2: {  	s1 =	srdreg.scid  }
0x3: {  	s0 =	sand.u32 $0x1, s1  }
0x4: {  	s19 =	sshll.u32 s0, $0xA;
	s2 =	sadd.s32 s3, s2  }
0x5: {  	s2 =	sadd.s32 s2, s19  }
0x6: {  	[smem:$0x3FC7] =	sst s2  }
0x7: {  	_ = 	snop  }
0x8: {  	s2 =	sld [smem:$0x3FC9]  }
0x9: {  	s20 =	sld [smem:$0x3FD0];
	(tm) =	ssettm $0x1  }
0xa: {  	s4 =	sld [smem:$0x3FFB];
	_ =	sdelay $0x3  }
0xb: {  	_ =	strace s4  }
0xc: {  	s4 =	sld [smem:$0x3FFC];
	_ =	sdelay $0x3  }
0xd: {  	_ =	strace s4  }
0xe: {  	s4 =	sld [smem:$0x3FFD];
	_ =	sdelay $0x3  }
0xf: {  	_ =	strace s4  }
0x10: {  	_ =	strace $0x8FFFFFFF  }
0x11: {  	s21 =	sld [smem:$0x3FDB];
	_ =	sdelay $0x1  }
0x12: {  	s5 =	simm.s32 $_scs_section_size  }
0x13: {  	s6 =	simm.s32 $_size__tile_overlayer_lowered;
	s7 =	simm.s32 $_tile_overlayer_lowered  }
0x14: {  	s24 =	simm.s32 $0x1BFF;
	s23 =	sshll.u32 s7, $0x1;
	s4 =	sadd.s32 s5, s21  }
0x15: {  	s8 =	simm.s32 $0x0;
	s22 =	sshll.u32 s6, $0x1;
	s6 =	sadd.s32 s23, s4  }
0x16: {  	[timem:s8], [sflag:s24] =	dma.local [hbm:s6], s22  }
0x17: {  	_ =	swait.ge [sflag:s24], s22  }
0x18: {  	s5 =	ssub.s32 $0x0, s22;
	[sflag:s24] =	ssyncset.done $0x0  }
0x19: {  	[sflag:s24] =	ssyncadd.s32 s5;
	_ =	sdelay $0x1  }
0x1a: {  	s25 =	simm.s32 $0x1B8B  }
0x1b: {  	_ =	swait.ge [sflag:s25], $0x1  }
0x1c: {  	[sflag:s25] =	ssyncset.done $0x0  }
0x1d: {  	s26 =	simm.s32 $0x1B8E;
	[sflag:s25] =	ssyncadd.s32 $0xFFFFFFFF  }
0x1e: {  	s27 =	simm.s32 $execute0_lowered;
	[smem:$0x3FD2] =	sst s26  }
0x1f: {  	s5 =	sshll.u32 s27, $0x1;
	_ =	strace $0x80000046;
	[dreg:$0x1] =	wrdreg $0xFFFFFFFF  }
0x20: {  	s28 =	simm.s32 $_size_execute0_lowered;
	s4 =	sadd.s32 s4, s5;
	[dreg:$0x0] =	wrdreg $0x0  }
0x21: {  	s5 =	sshll.u32 s28, $0x1;
	[dreg:$0x2] =	wrdreg s4  }
0x22: {  	[dreg:$0x3] =	wrdreg s5  }
0x23: {  	[dreg:$0x4] =	wrdreg $0xC0  }
0x24: {  	_ =	task [dreg:s8], $0x5FFFF  }
0x25: {  	[dreg:$0x1] =	wrdreg $0xFFFFFFFF  }
0x26: {  	[dreg:$0x0] =	wrdreg $0x60  }
0x27: {  	[dreg:$0x2] =	wrdreg s2  }
0x28: {  	[dreg:$0x3] =	wrdreg s20  }
0x29: {  	[dreg:$0x4] =	wrdreg $0x9  }
0x2a: {  	_ =	task.clear_ibuf [dreg:s8], $0x5FFFF;
	_ =	strace $0x90000046  }
0x2b: {  	s29 =	simm.s32 $0x9;
	_ =	strace $0x80000048  }
0x2c: {  	_ =	swait.ge [sflag:s29], $0x1  }
0x2d: {  	[sflag:s29] =	ssyncadd.s32 $0xFFFFFFFF  }
0x2e: {  	_ =	strace $0x90000048  }
0x2f: {  	_ =	sfence  }
0x30: {  	s30 =	sld [smem:$0x0];
	_ =	sdelay $0x2  }
0x31: {  	s31 =	sshll.u32 s1, $0xD;
	s1 =	sshrl.u32 s1, $0x2  }
0x32: {  	s3 =	sand.u32 $0x4000, s31;
	s1 =	sadd.s32 s1, s30  }
0x33: {  	s0 =	sor.u32 s3, s0;
	s1 =	sshll.u32 s1, $0x11  }
0x34: {  	s0 =	sor.u32 s1, s0  }
0x35: {  	s0 =	sadd.s32 $0x8F2B, s0  }
0x36: {  	[sflag:s0] =	ssyncadd.remote.s32 $0x1  }
0x37: {  	_ =	sfence.sel $0xFFFF  }
0x38: {  	[dreg:$0x0] =	wrdreg $0xFFFFFFFF;
	(pc) =	sbr.abs _section_cstart, $3  }
0x39: {  	[dreg:$0x1] =	wrdreg $0xFFFFFFFF  }
0x3a: {  	_ =	task.clear_ibuf [dreg:s8], $0x2FFFF;
	_ =	strace $0x9FFFFFFF  }
0x3b: {  	(tm) =	ssettm $0x7FFFFFFF  }
tec
execute0_lowered:
.L_overlay_start_1:
0x0: {  	(tag) =	ssettag $0x1  }
0x1: {  	s0 =	srdreg.scid  }
0x2: {  	s1 =	sshll.u32 s0, $0x4  }
0x3: {  	s2 =	rddreg [dreg:$0x0];
	s0 =	stileid.u32;
	s1 =	sand.u32 $0x10, s1  }
0x4: {  	s4 =	rddreg [dreg:$0x1];
	s1 =	sor.u32 s0, s1  }
0x5: {  	s7 =	simm.s32 $0x1;
	s8 =	simm.s32 $0x2;
	s3 =	sshll.u32 s1, $0x1  }
0x6: {  	s9 =	simm.s32 $0x0;
	s12 =	simm.s32 $0x0;
	s6 =	ssub.s32 $0x800, s3  }
.Ltmp0:
0x7: {  	s11 =	simm.s32 $0x0;
	s5 =	sand.u32 $0x3E, s6;
	(pc) =	sbr.rel .LBB1_1-.Ltmp0, $4  }
0x8: {  	s1 =	rddreg [dreg:$0x2];
	_ =	strace $0x80000047;
	p0 =	sne.s32 s5, $0x0  }
0x9: {  	s6 =	sshrl.u32 s6, $0x6;
	s5 =	simm.s32 $0x1;
	s7 =	simm.s32 @!p0 $0x0  }
0xa: {  	s10 =	smov.u32 s3;
	[sflag:s5] =	ssyncpa.u1 $0x0;
	s6 =	sadd.s32 s7, s6  }
0xb: {  	[sflag:s8] =	ssyncpa.u1 $0x0;
	s8 =	simm.s32 $0x0;
	s7 =	sadd.s32 $0x1, s6  }
.LBB1_9:
0xc: {  	s14 =	sadd.s32 $0x40, s10  }
0xd: {  	p1 =	sgt.s32 s14, $0x7FF  }
0xe: {  	s14 =	smov.u32 @p1 s3;
	p1 =	sne.s32 s11, s7  }
.Ltmp1:
0xf: {  	p0 =	slt.u32 s11, $0x2;
	(pc) =	sbr.rel @!p1 .LBB1_10-.Ltmp1, $4  }
0x10: {  	s13 =	simm.s32 @!p0 $0x2  }
0x11: {  	s15 =	sadd.s32 $0x1, s11;
	_ =	swait.ge @!p0 [sflag:s13], $0x4000  }
0x12: {  	s12 =	smov.u32 s10;
	s9 =	sadd.s32 $0x4000, s9;
	[sflag:s13] =	ssyncset.done @!p0 $0x0  }
0x13: {  	s11 =	smov.u32 s15;
	s10 =	smov.u32 s14;
	[sflag:s13] =	ssyncadd.s32 @!p0 $0xFFFFC000  }
.LBB1_1:
0x14: {  	p0 =	sge.u32 s11, s6  }
0x15: {  	s13 =	sxor.u32 @!p0 $0xFFFFFFFF, s11  }
0x16: {  	s31 =	sadd.s32 $0xFFFFFFFF, s11;
	s14 =	sshll.u32 @!p0 s10, $0xA;
	s13 =	sshll.u32 @!p0 s13, $0xE  }
0x17: {  	s15 =	simm.s32 @!p0 $0x0;
	s14 =	sadd.s32 @!p0 s2, s14;
	s13 =	sand.u32 @!p0 $0x4000, s13  }
0x18: {  	[tilespmem:s13], [sflag:$0x1] =	stream.linear.gather @!p0 [hbm4b:s14+s15], $0x4000, $0x38;
	[tilespmem:$0x10000] =	vst v63  }
0x19: {  	p0 =	sge.u32 s31, s6  }
.Ltmp2:
0x1a: {  	_ = 	snop;
	(pc) =	sbr.rel @p0 .LBB1_9-.Ltmp2, $1  }
0x1b: {  	_ =	sdelay $0x3  }
0x1c: {  	s13 =	sshll.u32 s9, $0x2  }
0x1d: {  	_ =	swait.ge [sflag:s5], $0x4000;
	s14 =	sshll.u32 s11, $0xE;
	s16 =	simm.s32 $0x0  }
0x1e: {  	p1 =	por $0x1, $0x1;
	s13 =	sand.u32 $0x10000, s13;
	[sflag:s5] =	ssyncset.done $0x0  }
0x1f: {  	s14 =	sand.u32 $0x4000, s14;
	s15 =	sshrl.u32 s13, $0x2;
	[sflag:s5] =	ssyncadd.s32 $0xFFFFC000  }
0x20: {  	s13 =	sor.u32 $0x8000, s14;
	s14 =	sadd.s32 $0x8040, s15;
	s15 =	sadd.s32 $0x40, s15  }
.LBB1_3:
0x21: {  	s16 =	sshll.u32 s16, $0x2  }
0x22: {  	p0 =	por p1, p1;
	s17 =	sshra.s32 s16, $0x2  }
0x23: {  	s18 =	simm.s32 $0x0;
	s16 =	sadd.s32 s17, s14;
	s17 =	sadd.s32 s17, s15  }
.LBB1_4:
0x24: {  	v0 =	vmov s17;
	_ =	sdelay $0x3  }
0x25: {  	s20 =	simm.s32 $0x0  }
0x26: {  	v6 =	vld.idx.msk [tilespmem:v0+s20+$0x30 ss:$0x1], $0xffff  }
0x27: {  	v7 =	vld.idx.msk [tilespmem:v0+s20+$0xFFFFFFC0 ss:$0x1], $0xffff  }
0x28: {  	v5 =	vld.idx.msk [tilespmem:v0+s20+$0xFFFFFFD0 ss:$0x1], $0xffff  }
0x29: {  	v4 =	vld.idx.msk [tilespmem:v0+s20+$0xFFFFFFE0 ss:$0x1], $0xffff  }
0x2a: {  	v3 =	vld.idx.msk [tilespmem:v0+s20+$0xFFFFFFF0 ss:$0x1], $0xffff  }
0x2b: {  	v1 =	vld.idx.msk [tilespmem:v0+s20+$0x0 ss:$0x1], $0xffff  }
0x2c: {  	v2 =	vld.idx.msk [tilespmem:v0+s20+$0x10 ss:$0x1], $0xffff;
	[tilespmem:s16+$0x30] =	vst v6  }
0x2d: {  	s19 =	simm.s32 $0x80;
	s21 =	simm.s32 $0x400;
	[tilespmem:s16+$0xFFFFFFC0] =	vst v7;
	v6 =	vld.idx.msk [tilespmem:v0+s20+$0x20 ss:$0x1], $0xffff;
	s20 =	smov.u32 s16  }
.LBB1_5:
0x2e: {  	p1 =	sne.s32 s21, $0xE00;
	v7 =	vld.idx.msk [tilespmem:v0+s19+$0x30 ss:$0x1], $0xffff;
	[tilespmem:s20+$0xFFFFFFD0] =	vst v5  }
0x2f: {  	v8 =	vld.idx.msk [tilespmem:v0+s19+$0xFFFFFFC0 ss:$0x1], $0xffff;
	[tilespmem:s20+$0xFFFFFFE0] =	vst v4  }
0x30: {  	v5 =	vld.idx.msk [tilespmem:v0+s19+$0xFFFFFFD0 ss:$0x1], $0xffff;
	[tilespmem:s20+$0xFFFFFFF0] =	vst v3  }
.Ltmp3:
0x31: {  	v4 =	vld.idx.msk [tilespmem:v0+s19+$0xFFFFFFE0 ss:$0x1], $0xffff;
	[tilespmem:s20+$0x0] =	vst v1;
	(pc) =	sbr.rel @p1 .LBB1_5-.Ltmp3, $4  }
0x32: {  	v3 =	vld.idx.msk [tilespmem:v0+s19+$0xFFFFFFF0 ss:$0x1], $0xffff;
	[tilespmem:s20+$0x10] =	vst v2  }
0x33: {  	v1 =	vld.idx.msk [tilespmem:v0+s19+$0x0 ss:$0x1], $0xffff;
	[tilespmem:s20+$0x20] =	vst v6;
	s20 =	sadd.s32 $0x400, s20  }
0x34: {  	v2 =	vld.idx.msk [tilespmem:v0+s19+$0x10 ss:$0x1], $0xffff;
	[tilespmem:s20+$0x30] =	vst v7  }
0x35: {  	[tilespmem:s20+$0xFFFFFFC0] =	vst v8;
	v6 =	vld.idx.msk [tilespmem:v0+s19+$0x20 ss:$0x1], $0xffff;
	s19 =	sshra.s32 s21, $0x2;
	s21 =	sadd.s32 $0x200, s21  }
0x36: {  	_ =	sdelay $0x2  }
0x37: {  	[tilespmem:s20+$0xFFFFFFD0] =	vst v5  }
0x38: {  	v56 =	vld.idx.msk [tilespmem:v0+s19+$0x30 ss:$0x1], $0xffff;
	[tilespmem:s20+$0xFFFFFFE0] =	vst v4  }
0x39: {  	v57 =	vld.idx.msk [tilespmem:v0+s19+$0xFFFFFFC0 ss:$0x1], $0xffff;
	[tilespmem:s20+$0xFFFFFFF0] =	vst v3  }
0x3a: {  	v58 =	vld.idx.msk [tilespmem:v0+s19+$0xFFFFFFD0 ss:$0x1], $0xffff;
	[tilespmem:s20+$0x0] =	vst v1  }
0x3b: {  	v59 =	vld.idx.msk [tilespmem:v0+s19+$0xFFFFFFE0 ss:$0x1], $0xffff;
	[tilespmem:s20+$0x10] =	vst v2  }
0x3c: {  	v60 =	vld.idx.msk [tilespmem:v0+s19+$0xFFFFFFF0 ss:$0x1], $0xffff;
	s31 =	sadd.s32 $0x400, s20;
	[tilespmem:s20+$0x20] =	vst v6  }
0x3d: {  	v61 =	vld.idx.msk [tilespmem:v0+s19+$0x0 ss:$0x1], $0xffff;
	[tilespmem:s31+$0x30] =	vst v56  }
0x3e: {  	v62 =	vld.idx.msk [tilespmem:v0+s19+$0x10 ss:$0x1], $0xffff;
	s18 =	sadd.s32 $0x1, s18;
	[tilespmem:s31+$0xFFFFFFC0] =	vst v57  }
0x3f: {  	v63 =	vld.idx.msk [tilespmem:v0+s19+$0x20 ss:$0x1], $0xffff;
	p1 =	sne.s32 s18, $0x8;
	[tilespmem:s31+$0xFFFFFFD0] =	vst v58  }
.Ltmp4:
0x40: {  	[tilespmem:s31+$0xFFFFFFE0] =	vst v59;
	(pc) =	sbr.rel @p1 .LBB1_4-.Ltmp4, $4  }
0x41: {  	[tilespmem:s31+$0xFFFFFFF0] =	vst v60  }
0x42: {  	[tilespmem:s31+$0x0] =	vst v61  }
0x43: {  	[tilespmem:s31+$0x10] =	vst v62  }
0x44: {  	s16 =	sadd.s32 $0x80, s16;
	s17 =	sadd.s32 $0x400, s17;
	[tilespmem:s31+$0x20] =	vst v63  }
.Ltmp5:
0x45: {  	(pc) =	sbr.rel @p0 .LBB1_3-.Ltmp5, $2  }
0x46: {  	_ =	sdelay $0x2  }
0x47: {  	s16 =	simm.s32 $0x2000;
	p1 =	por $0x0, $0x0  }
.Ltmp6:
0x48: {  	(pc) =	sbr.rel .LBB1_9-.Ltmp6, $4  }
0x49: {  	_ = 	snop  }
0x4a: {  	s12 =	sshll.u32 s12, $0xA  }
0x4b: {  	s12 =	sadd.s32 s4, s12  }
0x4c: {  	[hbm4b:s12+s8] =	stream.linear.scatter [tilespmem:s13], [sflag:$0x2], $0x4000, $0x38;
	[tilespmem:$0x10000] =	vst v63  }
.LBB1_10:
0x4d: {  	_ =	sfence.sel $0x180000  }
0x4e: {  	s2 =	simm.s32 $0x1;
	[bflag:$0x0] =	sbarrier.arrive $0xFFFF  }
0x4f: {  	s31 =	simm.s32 $0x2;
	[sflag:s2] =	ssyncpa.u1 $0x1  }
0x50: {  	[sflag:s31] =	ssyncpa.u1 $0x1  }
0x51: {  	p0 =	sne.s32 s0, $0x0;
	_ =	strace $0x90000047  }
0x52: {  	s0 =	sadd.s32 @!p0 $0x100000, s1;
	[bflag:$0x2] =	sbarrier.arrive $0xFFFF  }
0x53: {  	[sflag:s0] =	ssyncadd.tile.s32 @!p0 $0x1;
	_ =	shalt  }
.Lfunc_end1:
_tile_overlayer_lowered:
.L_overlay_start_2:
0x54: {  	(tag) =	ssettag $0x2  }
0x55: {  	s0 =	rddreg [dreg:$0x0];
	s2 =	stileid.u32  }
0x56: {  	s1 =	rddreg [dreg:$0x1];
	p0 =	sne.s32 s2, $0x0  }
0x57: {  	s3 =	rddreg [dreg:$0x2];
	[bflag:$0x3] =	sbarrier.arrive $0xFFFF;
	s2 =	simm.s32 @!p0 $0x1C01  }
0x58: {  	[timem:s3], [sflag:s2] =	dma.local @!p0 [hbm:s0], s1  }
0x59: {  	s0 =	simm.s32 @!p0 $0x1  }
0x5a: {  	_ =	swait.ge @!p0 [sflag:s0], s1  }
0x5b: {  	s1 =	ssub.s32 @!p0 $0x0, s1;
	[sflag:s0] =	ssyncset.done @!p0 $0x0  }
0x5c: {  	[sflag:s0] =	ssyncadd.s32 @!p0 s1  }
0x5d: {  	[bflag:$0x3] =	sbarrier.arrive $0xFFFF  }
0x5e: {  	_ =	shalt  }

// kernel: sparse-core-data-format-call.cloned.1.call-start
scs
called_computation_lowered:
.L_overlay_start_0:
0x0: {  	s2 =	sld [smem:$0x3FD9]  }
0x1: {  	s3 =	sld [smem:$0x3FFE];
	_ =	sdelay $0x1  }
0x2: {  	s1 =	srdreg.scid  }
0x3: {  	s0 =	sand.u32 $0x1, s1  }
0x4: {  	s18 =	sshll.u32 s0, $0xA;
	s2 =	sadd.s32 s3, s2  }
0x5: {  	s2 =	sadd.s32 s2, s18  }
0x6: {  	[smem:$0x3FC7] =	sst s2  }
0x7: {  	_ = 	snop  }
0x8: {  	s2 =	sld [smem:$0x3FD0];
	(tm) =	ssettm $0x1  }
0x9: {  	s19 =	sld [smem:$0x3FFB];
	_ =	sdelay $0x3  }
0xa: {  	_ =	strace s19  }
0xb: {  	s3 =	sld [smem:$0x3FFC];
	_ =	sdelay $0x3  }
0xc: {  	_ =	strace s3  }
0xd: {  	s3 =	sld [smem:$0x3FFD];
	_ =	sdelay $0x3  }
0xe: {  	_ =	strace s3  }
0xf: {  	_ =	strace $0x8FFFFFFF  }
0x10: {  	s20 =	sld [smem:$0x3FDB];
	_ =	sdelay $0x1  }
0x11: {  	s4 =	simm.s32 $_scs_section_size  }
0x12: {  	s5 =	simm.s32 $_size__tile_overlayer_lowered;
	s6 =	simm.s32 $_tile_overlayer_lowered  }
0x13: {  	s23 =	simm.s32 $0x1BFF;
	s22 =	sshll.u32 s6, $0x1;
	s3 =	sadd.s32 s4, s20  }
0x14: {  	s7 =	simm.s32 $0x0;
	s21 =	sshll.u32 s5, $0x1;
	s5 =	sadd.s32 s22, s3  }
0x15: {  	[timem:s7], [sflag:s23] =	dma.local [hbm:s5], s21  }
0x16: {  	_ =	swait.ge [sflag:s23], s21  }
0x17: {  	s4 =	ssub.s32 $0x0, s21;
	[sflag:s23] =	ssyncset.done $0x0  }
0x18: {  	[sflag:s23] =	ssyncadd.s32 s4;
	_ =	sdelay $0x1  }
0x19: {  	s24 =	simm.s32 $0x1B8B  }
0x1a: {  	_ =	swait.ge [sflag:s24], $0x1  }
0x1b: {  	[sflag:s24] =	ssyncset.done $0x0  }
0x1c: {  	s26 =	simm.s32 $0x1B8E;
	s25 =	sld [smem:$0x3FFE];
	[sflag:s24] =	ssyncadd.s32 $0xFFFFFFFF  }
0x1d: {  	s27 =	simm.s32 $execute0_lowered;
	[smem:$0x3FD2] =	sst s26  }
0x1e: {  	s5 =	sshll.u32 s27, $0x1;
	_ =	strace $0x80000049;
	[dreg:$0x1] =	wrdreg $0xFFFFFFFF  }
0x1f: {  	s28 =	simm.s32 $_size_execute0_lowered;
	s3 =	sadd.s32 s3, s5;
	[dreg:$0x0] =	wrdreg $0x0  }
0x20: {  	s5 =	sshll.u32 s28, $0x1;
	[dreg:$0x2] =	wrdreg s3  }
0x21: {  	[dreg:$0x3] =	wrdreg s5  }
0x22: {  	[dreg:$0x4] =	wrdreg $0xC0  }
0x23: {  	_ =	task [dreg:s7], $0x5FFFF  }
0x24: {  	[dreg:$0x1] =	wrdreg $0xFFFFFFFF  }
0x25: {  	[dreg:$0x0] =	wrdreg $0x60  }
0x26: {  	[dreg:$0x2] =	wrdreg s25  }
0x27: {  	[dreg:$0x3] =	wrdreg s2  }
0x28: {  	[dreg:$0x4] =	wrdreg $0x9  }
0x29: {  	_ =	task.clear_ibuf [dreg:s7], $0x5FFFF;
	_ =	strace $0x90000049  }
0x2a: {  	s29 =	simm.s32 $0x9;
	_ =	strace $0x8000004B  }
0x2b: {  	_ =	swait.ge [sflag:s29], $0x1  }
0x2c: {  	[sflag:s29] =	ssyncadd.s32 $0xFFFFFFFF  }
0x2d: {  	_ =	strace $0x9000004B  }
0x2e: {  	_ =	sfence  }
0x2f: {  	s30 =	sld [smem:$0x0];
	_ =	sdelay $0x2  }
0x30: {  	s31 =	sshll.u32 s1, $0xD;
	s1 =	sshrl.u32 s1, $0x2  }
0x31: {  	s3 =	sand.u32 $0x4000, s31;
	s1 =	sadd.s32 s1, s30  }
0x32: {  	s0 =	sor.u32 s3, s0;
	s1 =	sshll.u32 s1, $0x11  }
0x33: {  	s0 =	sor.u32 s1, s0  }
0x34: {  	s0 =	sadd.s32 $0x8F2B, s0  }
0x35: {  	[sflag:s0] =	ssyncadd.remote.s32 $0x1  }
0x36: {  	_ =	sfence.sel $0xFFFF  }
0x37: {  	[dreg:$0x0] =	wrdreg $0xFFFFFFFF;
	(pc) =	sbr.abs _section_cstart, $3  }
0x38: {  	[dreg:$0x1] =	wrdreg $0xFFFFFFFF  }
0x39: {  	_ =	task.clear_ibuf [dreg:s7], $0x2FFFF;
	_ =	strace $0x9FFFFFFF  }
0x3a: {  	(tm) =	ssettm $0x7FFFFFFF  }
0x3b: {  	_ =	shalt  }
tec
execute0_lowered:
.L_overlay_start_1:
0x0: {  	(tag) =	ssettag $0x1  }
0x1: {  	s0 =	srdreg.scid  }
0x2: {  	s1 =	sshll.u32 s0, $0x4  }
0x3: {  	s4 =	rddreg [dreg:$0x0];
	s0 =	stileid.u32;
	s1 =	sand.u32 $0x10, s1  }
0x4: {  	s2 =	rddreg [dreg:$0x1];
	s7 =	simm.s32 $0x1;
	s1 =	sor.u32 s0, s1  }
0x5: {  	s8 =	simm.s32 $0x2;
	s9 =	simm.s32 $0x0;
	s3 =	sshll.u32 s1, $0x1  }
0x6: {  	s12 =	simm.s32 $0x0;
	s11 =	simm.s32 $0x0;
	s6 =	ssub.s32 $0x800, s3  }
.Ltmp0:
0x7: {  	s4 =	sadd.s32 $0x800, s4;
	s5 =	sand.u32 $0x3E, s6;
	(pc) =	sbr.rel .LBB1_1-.Ltmp0, $4  }
0x8: {  	s1 =	rddreg [dreg:$0x2];
	_ =	strace $0x8000004A;
	p0 =	sne.s32 s5, $0x0  }
0x9: {  	s6 =	sshrl.u32 s6, $0x6;
	s5 =	simm.s32 $0x1;
	s7 =	simm.s32 @!p0 $0x0  }
0xa: {  	s10 =	smov.u32 s3;
	[sflag:s5] =	ssyncpa.u1 $0x0;
	s6 =	sadd.s32 s7, s6  }
0xb: {  	[sflag:s8] =	ssyncpa.u1 $0x0;
	s8 =	simm.s32 $0x0;
	s7 =	sadd.s32 $0x1, s6  }
.LBB1_9:
0xc: {  	s14 =	sadd.s32 $0x40, s10  }
0xd: {  	p1 =	sgt.s32 s14, $0x7FF  }
0xe: {  	s14 =	smov.u32 @p1 s3;
	p1 =	sne.s32 s11, s7  }
.Ltmp1:
0xf: {  	p0 =	slt.u32 s11, $0x2;
	(pc) =	sbr.rel @!p1 .LBB1_10-.Ltmp1, $4  }
0x10: {  	s13 =	simm.s32 @!p0 $0x2  }
0x11: {  	s15 =	sadd.s32 $0x1, s11;
	_ =	swait.ge @!p0 [sflag:s13], $0x4000  }
0x12: {  	s12 =	smov.u32 s10;
	s9 =	sadd.s32 $0x4000, s9;
	[sflag:s13] =	ssyncset.done @!p0 $0x0  }
0x13: {  	s11 =	smov.u32 s15;
	s10 =	smov.u32 s14;
	[sflag:s13] =	ssyncadd.s32 @!p0 $0xFFFFC000  }
.LBB1_1:
0x14: {  	p0 =	sge.u32 s11, s6  }
0x15: {  	s13 =	sxor.u32 @!p0 $0xFFFFFFFF, s11  }
0x16: {  	s31 =	sadd.s32 $0xFFFFFFFF, s11;
	s14 =	sshll.u32 @!p0 s10, $0xA;
	s13 =	sshll.u32 @!p0 s13, $0xE  }
0x17: {  	s15 =	simm.s32 @!p0 $0x0;
	s14 =	sadd.s32 @!p0 s4, s14;
	s13 =	sand.u32 @!p0 $0x4000, s13  }
0x18: {  	[tilespmem:s13], [sflag:$0x1] =	stream.linear.gather @!p0 [hbm4b:s14+s15], $0x4000, $0x38;
	[tilespmem:$0x10000] =	vst v63  }
0x19: {  	p0 =	sge.u32 s31, s6  }
.Ltmp2:
0x1a: {  	_ = 	snop;
	(pc) =	sbr.rel @p0 .LBB1_9-.Ltmp2, $1  }
0x1b: {  	_ =	sdelay $0x3  }
0x1c: {  	s13 =	sshll.u32 s9, $0x2  }
0x1d: {  	_ =	swait.ge [sflag:s5], $0x4000;
	s14 =	sshll.u32 s11, $0xE;
	s16 =	simm.s32 $0x0  }
0x1e: {  	p1 =	por $0x1, $0x1;
	s13 =	sand.u32 $0x10000, s13;
	[sflag:s5] =	ssyncset.done $0x0  }
0x1f: {  	s14 =	sand.u32 $0x4000, s14;
	s15 =	sshrl.u32 s13, $0x2;
	[sflag:s5] =	ssyncadd.s32 $0xFFFFC000  }
0x20: {  	s13 =	sor.u32 $0x8000, s14;
	s14 =	sadd.s32 $0x8040, s15;
	s15 =	sadd.s32 $0x40, s15  }
.LBB1_3:
0x21: {  	s16 =	sshll.u32 s16, $0x2  }
0x22: {  	p0 =	por p1, p1;
	s17 =	sshra.s32 s16, $0x2  }
0x23: {  	s18 =	simm.s32 $0x0;
	s16 =	sadd.s32 s17, s14;
	s17 =	sadd.s32 s17, s15  }
.LBB1_4:
0x24: {  	v0 =	vmov s17;
	_ =	sdelay $0x3  }
0x25: {  	s20 =	simm.s32 $0x0  }
0x26: {  	v6 =	vld.idx.msk [tilespmem:v0+s20+$0x30 ss:$0x1], $0xffff  }
0x27: {  	v7 =	vld.idx.msk [tilespmem:v0+s20+$0xFFFFFFC0 ss:$0x1], $0xffff  }
0x28: {  	v5 =	vld.idx.msk [tilespmem:v0+s20+$0xFFFFFFD0 ss:$0x1], $0xffff  }
0x29: {  	v4 =	vld.idx.msk [tilespmem:v0+s20+$0xFFFFFFE0 ss:$0x1], $0xffff  }
0x2a: {  	v3 =	vld.idx.msk [tilespmem:v0+s20+$0xFFFFFFF0 ss:$0x1], $0xffff  }
0x2b: {  	v1 =	vld.idx.msk [tilespmem:v0+s20+$0x0 ss:$0x1], $0xffff  }
0x2c: {  	v2 =	vld.idx.msk [tilespmem:v0+s20+$0x10 ss:$0x1], $0xffff;
	[tilespmem:s16+$0x30] =	vst v6  }
0x2d: {  	s19 =	simm.s32 $0x80;
	s21 =	simm.s32 $0x400;
	[tilespmem:s16+$0xFFFFFFC0] =	vst v7;
	v6 =	vld.idx.msk [tilespmem:v0+s20+$0x20 ss:$0x1], $0xffff;
	s20 =	smov.u32 s16  }
.LBB1_5:
0x2e: {  	p1 =	sne.s32 s21, $0xE00;
	v7 =	vld.idx.msk [tilespmem:v0+s19+$0x30 ss:$0x1], $0xffff;
	[tilespmem:s20+$0xFFFFFFD0] =	vst v5  }
0x2f: {  	v8 =	vld.idx.msk [tilespmem:v0+s19+$0xFFFFFFC0 ss:$0x1], $0xffff;
	[tilespmem:s20+$0xFFFFFFE0] =	vst v4  }
0x30: {  	v5 =	vld.idx.msk [tilespmem:v0+s19+$0xFFFFFFD0 ss:$0x1], $0xffff;
	[tilespmem:s20+$0xFFFFFFF0] =	vst v3  }
.Ltmp3:
0x31: {  	v4 =	vld.idx.msk [tilespmem:v0+s19+$0xFFFFFFE0 ss:$0x1], $0xffff;
	[tilespmem:s20+$0x0] =	vst v1;
	(pc) =	sbr.rel @p1 .LBB1_5-.Ltmp3, $4  }
0x32: {  	v3 =	vld.idx.msk [tilespmem:v0+s19+$0xFFFFFFF0 ss:$0x1], $0xffff;
	[tilespmem:s20+$0x10] =	vst v2  }
0x33: {  	v1 =	vld.idx.msk [tilespmem:v0+s19+$0x0 ss:$0x1], $0xffff;
	[tilespmem:s20+$0x20] =	vst v6;
	s20 =	sadd.s32 $0x400, s20  }
0x34: {  	v2 =	vld.idx.msk [tilespmem:v0+s19+$0x10 ss:$0x1], $0xffff;
	[tilespmem:s20+$0x30] =	vst v7  }
0x35: {  	[tilespmem:s20+$0xFFFFFFC0] =	vst v8;
	v6 =	vld.idx.msk [tilespmem:v0+s19+$0x20 ss:$0x1], $0xffff;
	s19 =	sshra.s32 s21, $0x2;
	s21 =	sadd.s32 $0x200, s21  }
0x36: {  	_ =	sdelay $0x2  }
0x37: {  	[tilespmem:s20+$0xFFFFFFD0] =	vst v5  }
0x38: {  	v56 =	vld.idx.msk [tilespmem:v0+s19+$0x30 ss:$0x1], $0xffff;
	[tilespmem:s20+$0xFFFFFFE0] =	vst v4  }
0x39: {  	v57 =	vld.idx.msk [tilespmem:v0+s19+$0xFFFFFFC0 ss:$0x1], $0xffff;
	[tilespmem:s20+$0xFFFFFFF0] =	vst v3  }
0x3a: {  	v58 =	vld.idx.msk [tilespmem:v0+s19+$0xFFFFFFD0 ss:$0x1], $0xffff;
	[tilespmem:s20+$0x0] =	vst v1  }
0x3b: {  	v59 =	vld.idx.msk [tilespmem:v0+s19+$0xFFFFFFE0 ss:$0x1], $0xffff;
	[tilespmem:s20+$0x10] =	vst v2  }
0x3c: {  	v60 =	vld.idx.msk [tilespmem:v0+s19+$0xFFFFFFF0 ss:$0x1], $0xffff;
	s31 =	sadd.s32 $0x400, s20;
	[tilespmem:s20+$0x20] =	vst v6  }
0x3d: {  	v61 =	vld.idx.msk [tilespmem:v0+s19+$0x0 ss:$0x1], $0xffff;
	[tilespmem:s31+$0x30] =	vst v56  }
0x3e: {  	v62 =	vld.idx.msk [tilespmem:v0+s19+$0x10 ss:$0x1], $0xffff;
	s18 =	sadd.s32 $0x1, s18;
	[tilespmem:s31+$0xFFFFFFC0] =	vst v57  }
0x3f: {  	v63 =	vld.idx.msk [tilespmem:v0+s19+$0x20 ss:$0x1], $0xffff;
	p1 =	sne.s32 s18, $0x8;
	[tilespmem:s31+$0xFFFFFFD0] =	vst v58  }
.Ltmp4:
0x40: {  	[tilespmem:s31+$0xFFFFFFE0] =	vst v59;
	(pc) =	sbr.rel @p1 .LBB1_4-.Ltmp4, $4  }
0x41: {  	[tilespmem:s31+$0xFFFFFFF0] =	vst v60  }
0x42: {  	[tilespmem:s31+$0x0] =	vst v61  }
0x43: {  	[tilespmem:s31+$0x10] =	vst v62  }
0x44: {  	s16 =	sadd.s32 $0x80, s16;
	s17 =	sadd.s32 $0x400, s17;
	[tilespmem:s31+$0x20] =	vst v63  }
.Ltmp5:
0x45: {  	(pc) =	sbr.rel @p0 .LBB1_3-.Ltmp5, $2  }
0x46: {  	_ =	sdelay $0x2  }
0x47: {  	s16 =	simm.s32 $0x2000;
	p1 =	por $0x0, $0x0  }
.Ltmp6:
0x48: {  	(pc) =	sbr.rel .LBB1_9-.Ltmp6, $4  }
0x49: {  	_ = 	snop  }
0x4a: {  	s12 =	sshll.u32 s12, $0xA  }
0x4b: {  	s12 =	sadd.s32 s2, s12  }
0x4c: {  	[hbm4b:s12+s8] =	stream.linear.scatter [tilespmem:s13], [sflag:$0x2], $0x4000, $0x38;
	[tilespmem:$0x10000] =	vst v63  }
.LBB1_10:
0x4d: {  	_ =	sfence.sel $0x180000  }
0x4e: {  	s2 =	simm.s32 $0x1;
	[bflag:$0x0] =	sbarrier.arrive $0xFFFF  }
0x4f: {  	s31 =	simm.s32 $0x2;
	[sflag:s2] =	ssyncpa.u1 $0x1  }
0x50: {  	[sflag:s31] =	ssyncpa.u1 $0x1  }
0x51: {  	p0 =	sne.s32 s0, $0x0;
	_ =	strace $0x9000004A  }
0x52: {  	s0 =	sadd.s32 @!p0 $0x100000, s1;
	[bflag:$0x2] =	sbarrier.arrive $0xFFFF  }
0x53: {  	[sflag:s0] =	ssyncadd.tile.s32 @!p0 $0x1;
	_ =	shalt  }
.Lfunc_end1:
_tile_overlayer_lowered:
.L_overlay_start_2:
0x54: {  	(tag) =	ssettag $0x2  }
0x55: {  	s0 =	rddreg [dreg:$0x0];
	s2 =	stileid.u32  }
0x56: {  	s1 =	rddreg [dreg:$0x1];
	p0 =	sne.s32 s2, $0x0  }
0x57: {  	s3 =	rddreg [dreg:$0x2];
	[bflag:$0x3] =	sbarrier.arrive $0xFFFF;
	s2 =	simm.s32 @!p0 $0x1C01  }
0x58: {  	[timem:s3], [sflag:s2] =	dma.local @!p0 [hbm:s0], s1  }
0x59: {  	s0 =	simm.s32 @!p0 $0x1  }
0x5a: {  	_ =	swait.ge @!p0 [sflag:s0], s1  }
0x5b: {  	s1 =	ssub.s32 @!p0 $0x0, s1;
	[sflag:s0] =	ssyncset.done @!p0 $0x0  }
0x5c: {  	[sflag:s0] =	ssyncadd.s32 @!p0 s1  }
0x5d: {  	[bflag:$0x3] =	sbarrier.arrive $0xFFFF  }
0x5e: {  	_ =	shalt  }

</sc_bundles>
